<compile_context>
chip_gen: v7x
topology: tpu7x:2x2x1
jax: 0.10.2.dev20260603
libtpu: 0.0.44.dev20260713+nightly
codegen_flags: <defaults>
</compile_context>

<pallas_src>
import functools

import jax
import jax.numpy as jnp
from jax.experimental import pallas as pl
from jax.experimental.pallas import tpu as pltpu

_D = 64
_M = 512
_K = 8
_TAU = 0.1
_SUB = 512
_NSUB = 4
_BLK = _SUB * _NSUB


def _body(q_ref, mem_ref, mem_aug_ref, out_ref, smax_ref):
    mem = mem_ref[...]
    mem_aug = mem_aug_ref[...]
    mn = mem * jax.lax.rsqrt(jnp.maximum(jnp.sum(mem * mem, axis=1, keepdims=True), 1e-24))

    for h in range(_NSUB):
        rows = pl.ds(h * _SUB, _SUB)
        q = q_ref[rows, :]
        qn = q * jax.lax.rsqrt(jnp.maximum(jnp.sum(q * q, axis=1, keepdims=True), 1e-24))

        sim = jnp.dot(qn, mn.T, preferred_element_type=jnp.float32)

        neg = jnp.float32(-jnp.inf)
        smax = jnp.max(sim, axis=1, keepdims=True)
        thr = smax
        for _ in range(_K - 1):
            thr = jnp.max(jnp.where(sim < thr, sim, neg), axis=1, keepdims=True)

        smax_s = smax * (1.0 / _TAU)
        e = jnp.where(sim >= thr, jnp.exp(sim * (1.0 / _TAU) - smax_s), 0.0)

        r = jnp.dot(e, mem_aug, preferred_element_type=jnp.float32)
        out_ref[rows, :] = r[:, :_D] * (1.0 / r[:, _D:])
        smax_ref[rows, :] = smax_s


@functools.partial(jax.jit, static_argnames=())
def kernel(queries, memory):
    b, n, d = queries.shape
    tokens = b * n
    q2 = queries.reshape(tokens, d)
    mem_aug = jnp.concatenate(
        [memory, jnp.ones((memory.shape[0], 1), jnp.float32)], axis=1)
    grid = (tokens // _BLK,)
    out, smax = pl.pallas_call(
        _body,
        grid=grid,
        in_specs=[
            pl.BlockSpec((_BLK, d), lambda i: (i, 0)),
            pl.BlockSpec((_M, d), lambda i: (0, 0)),
            pl.BlockSpec((_M, d + 1), lambda i: (0, 0)),
        ],
        out_specs=[
            pl.BlockSpec((_BLK, d), lambda i: (i, 0)),
            pl.BlockSpec((_BLK, 1), lambda i: (i, 0)),
        ],
        out_shape=[
            jax.ShapeDtypeStruct((tokens, d), jnp.float32),
            jax.ShapeDtypeStruct((tokens, 1), jnp.float32),
        ],
        compiler_params=pltpu.CompilerParams(
            dimension_semantics=("parallel",),
        ),
    )(q2, memory, mem_aug)
    return out.reshape(b, n, d), smax.reshape(b, n, 1)

# --- scband reference (transcript-rebuilt; emitter-appended) ---
"""Pipeline reference for scband-extreme-patch-memory-35012573397051 (READ-ONLY COPY).

The authoritative reference and input builder live on the scoring server;
editing this copy changes nothing except your own understanding.
"""

import jax, jax.numpy as jnp
import numpy as np

D_MODEL = 64
NUM_ITEMS = 512
TOPK = 8
TAU = 0.1

def _l2_normalize(x, axis=-1, eps=1e-12):
    n = jnp.linalg.norm(x, axis=axis, keepdims=True)
    return x / jnp.clip(n, eps, None)

def setup_inputs(seed: int = 0) -> dict:
    key = jax.random.key(seed)
    k1, k2 = jax.random.split(key)
    queries = jax.random.normal(k1, (16, 8192, D_MODEL), dtype=jnp.float32)
    mem = jax.random.normal(k2, (NUM_ITEMS, D_MODEL), dtype=jnp.float32)
    mem = _l2_normalize(mem, axis=-1)
    return {"queries": queries, "memory": mem}

def reference(queries, memory):
    # Faithful translation of ExtremePatchMemory.retrieve (return_weights=False)
    q = _l2_normalize(queries, axis=-1)
    m = _l2_normalize(memory, axis=-1)
    sim = jnp.einsum('bnd,md->bnm', q, m) / TAU
    k = min(TOPK, NUM_ITEMS)
    topk_sim, topk_idx = jax.lax.top_k(sim, k)
    topk_w = jax.nn.softmax(topk_sim, axis=-1)
    mem_sel = memory[topk_idx]  # gather: [B, Np, k, d]
    retrieved = jnp.sum(topk_w[..., None] * mem_sel, axis=-2)
    sim_max = jnp.max(sim, axis=-1, keepdims=True)
    return retrieved, sim_max

if __name__ == "__main__":
    import jax
    _d = setup_inputs()
    print(jax.jit(kernel)(*tuple(_d.values())))

</pallas_src>

<mosaic_0001>
module attributes {stable_mosaic.version = 14 : i64} {
  func.func @_body(%arg0: i32, %arg1: memref<2048x64xf32, #tpu.memory_space<vmem>>, %arg2: memref<512x64xf32, #tpu.memory_space<vmem>>, %arg3: memref<512x65xf32, #tpu.memory_space<vmem>>, %arg4: memref<2048x64xf32, #tpu.memory_space<vmem>>, %arg5: memref<2048x1xf32, #tpu.memory_space<vmem>>) attributes {dimension_semantics = [#tpu.dimension_semantics<parallel>], iteration_bounds = array<i64: 64>, scalar_prefetch = 0 : i64, scratch_operands = 0 : i64, tpu.core_type = #tpu.core_type<tc>, window_params = [{transform_indices = @transform_0, window_bounds = array<i64: 2048, 64>}, {pipeline_mode = #tpu.pipeline_mode<synchronous>, transform_indices = @transform_1, window_bounds = array<i64: 512, 64>}, {pipeline_mode = #tpu.pipeline_mode<synchronous>, transform_indices = @transform_2, window_bounds = array<i64: 512, 65>}, {transform_indices = @transform_3, window_bounds = array<i64: 2048, 64>}, {transform_indices = @transform_4, window_bounds = array<i64: 2048, 1>}]} {
    %get3A = arith.constant 0 : index
    %get3A_0 = arith.constant 0 : index
    %get3A_1 = vector.load %arg2[%get3A, %get3A_0] : memref<512x64xf32, #tpu.memory_space<vmem>>, vector<512x64xf32>
    %get3A_2 = arith.constant 0 : index
    %get3A_3 = arith.constant 0 : index
    %get3A_4 = vector.load %arg3[%get3A_2, %get3A_3] : memref<512x65xf32, #tpu.memory_space<vmem>>, vector<512x65xf32>
    %mul3A = arith.mulf %get3A_1, %get3A_1 : vector<512x64xf32>
    %reduce_sum3A = arith.constant dense<0.000000e+00> : vector<512xf32>
    %reduce_sum3A_5 = vector.multi_reduction <add>, %mul3A, %reduce_sum3A [1] : vector<512x64xf32> to vector<512xf32>
    %broadcast_in_dim3A = vector.shape_cast %reduce_sum3A_5 : vector<512xf32> to vector<512x1xf32>
    %max3A = arith.constant 1.000000e-24 : f32
    %max3A_6 = vector.broadcast %max3A : f32 to vector<512x1xf32>
    %max3A_7 = arith.maximumf %broadcast_in_dim3A, %max3A_6 : vector<512x1xf32>
    %rsqrt3A = math.rsqrt %max3A_7 : vector<512x1xf32>
    %mul3A_8 = vector.broadcast %rsqrt3A : vector<512x1xf32> to vector<512x64xf32>
    %mul3A_9 = arith.mulf %get3A_1, %mul3A_8 : vector<512x64xf32>
    %get3A_10 = arith.constant 0 : index
    %get3A_11 = arith.constant 0 : index
    %get3A_12 = vector.load %arg1[%get3A_10, %get3A_11] : memref<2048x64xf32, #tpu.memory_space<vmem>>, vector<512x64xf32>
    %mul3A_13 = arith.mulf %get3A_12, %get3A_12 : vector<512x64xf32>
    %reduce_sum3A_14 = arith.constant dense<0.000000e+00> : vector<512xf32>
    %reduce_sum3A_15 = vector.multi_reduction <add>, %mul3A_13, %reduce_sum3A_14 [1] : vector<512x64xf32> to vector<512xf32>
    %broadcast_in_dim3A_16 = vector.shape_cast %reduce_sum3A_15 : vector<512xf32> to vector<512x1xf32>
    %max3A_17 = arith.constant 1.000000e-24 : f32
    %max3A_18 = vector.broadcast %max3A_17 : f32 to vector<512x1xf32>
    %max3A_19 = arith.maximumf %broadcast_in_dim3A_16, %max3A_18 : vector<512x1xf32>
    %rsqrt3A_20 = math.rsqrt %max3A_19 : vector<512x1xf32>
    %mul3A_21 = vector.broadcast %rsqrt3A_20 : vector<512x1xf32> to vector<512x64xf32>
    %mul3A_22 = arith.mulf %get3A_12, %mul3A_21 : vector<512x64xf32>
    %transpose3A = tpu.transpose %mul3A_9, [1, 0] : vector<512x64xf32> -> vector<64x512xf32>
    %dot_general3A = arith.constant dense<0.000000e+00> : vector<512x512xf32>
    %dot_general3A_23 = tpu.matmul %mul3A_22, %transpose3A, %dot_general3A {dimension_numbers = #tpu.dot_dimension_numbers<[1], [0], [0], [1], [0, 0, 1, 1], [], []>, transpose_lhs_hint = false} : vector<512x64xf32>, vector<64x512xf32>, vector<512x512xf32> -> vector<512x512xf32>
    %reduce_max3A = arith.constant dense<0xFF800000> : vector<512xf32>
    %reduce_max3A_24 = vector.multi_reduction <maximumf>, %dot_general3A_23, %reduce_max3A [1] : vector<512x512xf32> to vector<512xf32>
    %broadcast_in_dim3A_25 = vector.shape_cast %reduce_max3A_24 : vector<512xf32> to vector<512x1xf32>
    %lt3A = vector.broadcast %broadcast_in_dim3A_25 : vector<512x1xf32> to vector<512x512xf32>
    %lt3A_26 = arith.cmpf olt, %dot_general3A_23, %lt3A : vector<512x512xf32>
    %jit3A = arith.constant 0xFF800000 : f32
    %broadcast_in_dim3A_27 = vector.broadcast %jit3A : f32 to vector<512x512xf32>
    %select_n3A = arith.select %lt3A_26, %dot_general3A_23, %broadcast_in_dim3A_27 : vector<512x512xi1>, vector<512x512xf32>
    %reduce_max3A_28 = arith.constant dense<0xFF800000> : vector<512xf32>
    %reduce_max3A_29 = vector.multi_reduction <maximumf>, %select_n3A, %reduce_max3A_28 [1] : vector<512x512xf32> to vector<512xf32>
    %broadcast_in_dim3A_30 = vector.shape_cast %reduce_max3A_29 : vector<512xf32> to vector<512x1xf32>
    %lt3A_31 = vector.broadcast %broadcast_in_dim3A_30 : vector<512x1xf32> to vector<512x512xf32>
    %lt3A_32 = arith.cmpf olt, %dot_general3A_23, %lt3A_31 : vector<512x512xf32>
    %jit3A_33 = arith.constant 0xFF800000 : f32
    %broadcast_in_dim3A_34 = vector.broadcast %jit3A_33 : f32 to vector<512x512xf32>
    %select_n3A_35 = arith.select %lt3A_32, %dot_general3A_23, %broadcast_in_dim3A_34 : vector<512x512xi1>, vector<512x512xf32>
    %reduce_max3A_36 = arith.constant dense<0xFF800000> : vector<512xf32>
    %reduce_max3A_37 = vector.multi_reduction <maximumf>, %select_n3A_35, %reduce_max3A_36 [1] : vector<512x512xf32> to vector<512xf32>
    %broadcast_in_dim3A_38 = vector.shape_cast %reduce_max3A_37 : vector<512xf32> to vector<512x1xf32>
    %lt3A_39 = vector.broadcast %broadcast_in_dim3A_38 : vector<512x1xf32> to vector<512x512xf32>
    %lt3A_40 = arith.cmpf olt, %dot_general3A_23, %lt3A_39 : vector<512x512xf32>
    %jit3A_41 = arith.constant 0xFF800000 : f32
    %broadcast_in_dim3A_42 = vector.broadcast %jit3A_41 : f32 to vector<512x512xf32>
    %select_n3A_43 = arith.select %lt3A_40, %dot_general3A_23, %broadcast_in_dim3A_42 : vector<512x512xi1>, vector<512x512xf32>
    %reduce_max3A_44 = arith.constant dense<0xFF800000> : vector<512xf32>
    %reduce_max3A_45 = vector.multi_reduction <maximumf>, %select_n3A_43, %reduce_max3A_44 [1] : vector<512x512xf32> to vector<512xf32>
    %broadcast_in_dim3A_46 = vector.shape_cast %reduce_max3A_45 : vector<512xf32> to vector<512x1xf32>
    %lt3A_47 = vector.broadcast %broadcast_in_dim3A_46 : vector<512x1xf32> to vector<512x512xf32>
    %lt3A_48 = arith.cmpf olt, %dot_general3A_23, %lt3A_47 : vector<512x512xf32>
    %jit3A_49 = arith.constant 0xFF800000 : f32
    %broadcast_in_dim3A_50 = vector.broadcast %jit3A_49 : f32 to vector<512x512xf32>
    %select_n3A_51 = arith.select %lt3A_48, %dot_general3A_23, %broadcast_in_dim3A_50 : vector<512x512xi1>, vector<512x512xf32>
    %reduce_max3A_52 = arith.constant dense<0xFF800000> : vector<512xf32>
    %reduce_max3A_53 = vector.multi_reduction <maximumf>, %select_n3A_51, %reduce_max3A_52 [1] : vector<512x512xf32> to vector<512xf32>
    %broadcast_in_dim3A_54 = vector.shape_cast %reduce_max3A_53 : vector<512xf32> to vector<512x1xf32>
    %lt3A_55 = vector.broadcast %broadcast_in_dim3A_54 : vector<512x1xf32> to vector<512x512xf32>
    %lt3A_56 = arith.cmpf olt, %dot_general3A_23, %lt3A_55 : vector<512x512xf32>
    %jit3A_57 = arith.constant 0xFF800000 : f32
    %broadcast_in_dim3A_58 = vector.broadcast %jit3A_57 : f32 to vector<512x512xf32>
    %select_n3A_59 = arith.select %lt3A_56, %dot_general3A_23, %broadcast_in_dim3A_58 : vector<512x512xi1>, vector<512x512xf32>
    %reduce_max3A_60 = arith.constant dense<0xFF800000> : vector<512xf32>
    %reduce_max3A_61 = vector.multi_reduction <maximumf>, %select_n3A_59, %reduce_max3A_60 [1] : vector<512x512xf32> to vector<512xf32>
    %broadcast_in_dim3A_62 = vector.shape_cast %reduce_max3A_61 : vector<512xf32> to vector<512x1xf32>
    %lt3A_63 = vector.broadcast %broadcast_in_dim3A_62 : vector<512x1xf32> to vector<512x512xf32>
    %lt3A_64 = arith.cmpf olt, %dot_general3A_23, %lt3A_63 : vector<512x512xf32>
    %jit3A_65 = arith.constant 0xFF800000 : f32
    %broadcast_in_dim3A_66 = vector.broadcast %jit3A_65 : f32 to vector<512x512xf32>
    %select_n3A_67 = arith.select %lt3A_64, %dot_general3A_23, %broadcast_in_dim3A_66 : vector<512x512xi1>, vector<512x512xf32>
    %reduce_max3A_68 = arith.constant dense<0xFF800000> : vector<512xf32>
    %reduce_max3A_69 = vector.multi_reduction <maximumf>, %select_n3A_67, %reduce_max3A_68 [1] : vector<512x512xf32> to vector<512xf32>
    %broadcast_in_dim3A_70 = vector.shape_cast %reduce_max3A_69 : vector<512xf32> to vector<512x1xf32>
    %lt3A_71 = vector.broadcast %broadcast_in_dim3A_70 : vector<512x1xf32> to vector<512x512xf32>
    %lt3A_72 = arith.cmpf olt, %dot_general3A_23, %lt3A_71 : vector<512x512xf32>
    %jit3A_73 = arith.constant 0xFF800000 : f32
    %broadcast_in_dim3A_74 = vector.broadcast %jit3A_73 : f32 to vector<512x512xf32>
    %select_n3A_75 = arith.select %lt3A_72, %dot_general3A_23, %broadcast_in_dim3A_74 : vector<512x512xi1>, vector<512x512xf32>
    %reduce_max3A_76 = arith.constant dense<0xFF800000> : vector<512xf32>
    %reduce_max3A_77 = vector.multi_reduction <maximumf>, %select_n3A_75, %reduce_max3A_76 [1] : vector<512x512xf32> to vector<512xf32>
    %broadcast_in_dim3A_78 = vector.shape_cast %reduce_max3A_77 : vector<512xf32> to vector<512x1xf32>
    %mul3A_79 = arith.constant 1.000000e+01 : f32
    %mul3A_80 = vector.broadcast %mul3A_79 : f32 to vector<512x1xf32>
    %mul3A_81 = arith.mulf %broadcast_in_dim3A_25, %mul3A_80 : vector<512x1xf32>
    %ge3A = vector.broadcast %broadcast_in_dim3A_78 : vector<512x1xf32> to vector<512x512xf32>
    %ge3A_82 = arith.cmpf oge, %dot_general3A_23, %ge3A : vector<512x512xf32>
    %mul3A_83 = arith.constant 1.000000e+01 : f32
    %mul3A_84 = vector.broadcast %mul3A_83 : f32 to vector<512x512xf32>
    %mul3A_85 = arith.mulf %dot_general3A_23, %mul3A_84 : vector<512x512xf32>
    %sub3A = vector.broadcast %mul3A_81 : vector<512x1xf32> to vector<512x512xf32>
    %sub3A_86 = arith.subf %mul3A_85, %sub3A : vector<512x512xf32>
    %exp3A = math.exp %sub3A_86 : vector<512x512xf32>
    %jit3A_87 = arith.constant 0.000000e+00 : f32
    %broadcast_in_dim3A_88 = vector.broadcast %jit3A_87 : f32 to vector<512x512xf32>
    %select_n3A_89 = arith.select %ge3A_82, %exp3A, %broadcast_in_dim3A_88 : vector<512x512xi1>, vector<512x512xf32>
    %dot_general3A_90 = arith.constant dense<0.000000e+00> : vector<512x65xf32>
    %dot_general3A_91 = tpu.matmul %select_n3A_89, %get3A_4, %dot_general3A_90 {dimension_numbers = #tpu.dot_dimension_numbers<[1], [0], [0], [1], [0, 0, 1, 1], [], []>, transpose_lhs_hint = false} : vector<512x512xf32>, vector<512x65xf32>, vector<512x65xf32> -> vector<512x65xf32>
    %slice3A = vector.extract_strided_slice %dot_general3A_91 {offsets = [0, 0], sizes = [512, 64], strides = [1, 1]} : vector<512x65xf32> to vector<512x64xf32>
    %slice3A_92 = vector.extract_strided_slice %dot_general3A_91 {offsets = [0, 64], sizes = [512, 1], strides = [1, 1]} : vector<512x65xf32> to vector<512x1xf32>
    %div3A = arith.constant 1.000000e+00 : f32
    %div3A_93 = vector.broadcast %div3A : f32 to vector<512x1xf32>
    %div3A_94 = arith.divf %div3A_93, %slice3A_92 : vector<512x1xf32>
    %mul3A_95 = vector.broadcast %div3A_94 : vector<512x1xf32> to vector<512x64xf32>
    %mul3A_96 = arith.mulf %slice3A, %mul3A_95 : vector<512x64xf32>
    %swap3A = arith.constant 0 : index
    %swap3A_97 = arith.constant 0 : index
    %swap3A_98 = vector.load %arg4[%swap3A, %swap3A_97] : memref<2048x64xf32, #tpu.memory_space<vmem>>, vector<512x64xf32>
    tpu.vector_store %arg4[%swap3A, %swap3A_97], %mul3A_96 {strides = array<i32>} : memref<2048x64xf32, #tpu.memory_space<vmem>>, vector<512x64xf32>,
    %swap3A_99 = arith.constant 0 : index
    %swap3A_100 = arith.constant 0 : index
    %swap3A_101 = vector.load %arg5[%swap3A_99, %swap3A_100] : memref<2048x1xf32, #tpu.memory_space<vmem>>, vector<512x1xf32>
    tpu.vector_store %arg5[%swap3A_99, %swap3A_100], %mul3A_81 {strides = array<i32>} : memref<2048x1xf32, #tpu.memory_space<vmem>>, vector<512x1xf32>,
    %get3A_102 = arith.constant 512 : index
    %get3A_103 = arith.constant 0 : index
    %get3A_104 = vector.load %arg1[%get3A_102, %get3A_103] : memref<2048x64xf32, #tpu.memory_space<vmem>>, vector<512x64xf32>
    %mul3A_105 = arith.mulf %get3A_104, %get3A_104 : vector<512x64xf32>
    %reduce_sum3A_106 = arith.constant dense<0.000000e+00> : vector<512xf32>
    %reduce_sum3A_107 = vector.multi_reduction <add>, %mul3A_105, %reduce_sum3A_106 [1] : vector<512x64xf32> to vector<512xf32>
    %broadcast_in_dim3A_108 = vector.shape_cast %reduce_sum3A_107 : vector<512xf32> to vector<512x1xf32>
    %max3A_109 = arith.constant 1.000000e-24 : f32
    %max3A_110 = vector.broadcast %max3A_109 : f32 to vector<512x1xf32>
    %max3A_111 = arith.maximumf %broadcast_in_dim3A_108, %max3A_110 : vector<512x1xf32>
    %rsqrt3A_112 = math.rsqrt %max3A_111 : vector<512x1xf32>
    %mul3A_113 = vector.broadcast %rsqrt3A_112 : vector<512x1xf32> to vector<512x64xf32>
    %mul3A_114 = arith.mulf %get3A_104, %mul3A_113 : vector<512x64xf32>
    %transpose3A_115 = tpu.transpose %mul3A_9, [1, 0] : vector<512x64xf32> -> vector<64x512xf32>
    %dot_general3A_116 = arith.constant dense<0.000000e+00> : vector<512x512xf32>
    %dot_general3A_117 = tpu.matmul %mul3A_114, %transpose3A_115, %dot_general3A_116 {dimension_numbers = #tpu.dot_dimension_numbers<[1], [0], [0], [1], [0, 0, 1, 1], [], []>, transpose_lhs_hint = false} : vector<512x64xf32>, vector<64x512xf32>, vector<512x512xf32> -> vector<512x512xf32>
    %reduce_max3A_118 = arith.constant dense<0xFF800000> : vector<512xf32>
    %reduce_max3A_119 = vector.multi_reduction <maximumf>, %dot_general3A_117, %reduce_max3A_118 [1] : vector<512x512xf32> to vector<512xf32>
    %broadcast_in_dim3A_120 = vector.shape_cast %reduce_max3A_119 : vector<512xf32> to vector<512x1xf32>
    %lt3A_121 = vector.broadcast %broadcast_in_dim3A_120 : vector<512x1xf32> to vector<512x512xf32>
    %lt3A_122 = arith.cmpf olt, %dot_general3A_117, %lt3A_121 : vector<512x512xf32>
    %jit3A_123 = arith.constant 0xFF800000 : f32
    %broadcast_in_dim3A_124 = vector.broadcast %jit3A_123 : f32 to vector<512x512xf32>
    %select_n3A_125 = arith.select %lt3A_122, %dot_general3A_117, %broadcast_in_dim3A_124 : vector<512x512xi1>, vector<512x512xf32>
    %reduce_max3A_126 = arith.constant dense<0xFF800000> : vector<512xf32>
    %reduce_max3A_127 = vector.multi_reduction <maximumf>, %select_n3A_125, %reduce_max3A_126 [1] : vector<512x512xf32> to vector<512xf32>
    %broadcast_in_dim3A_128 = vector.shape_cast %reduce_max3A_127 : vector<512xf32> to vector<512x1xf32>
    %lt3A_129 = vector.broadcast %broadcast_in_dim3A_128 : vector<512x1xf32> to vector<512x512xf32>
    %lt3A_130 = arith.cmpf olt, %dot_general3A_117, %lt3A_129 : vector<512x512xf32>
    %jit3A_131 = arith.constant 0xFF800000 : f32
    %broadcast_in_dim3A_132 = vector.broadcast %jit3A_131 : f32 to vector<512x512xf32>
    %select_n3A_133 = arith.select %lt3A_130, %dot_general3A_117, %broadcast_in_dim3A_132 : vector<512x512xi1>, vector<512x512xf32>
    %reduce_max3A_134 = arith.constant dense<0xFF800000> : vector<512xf32>
    %reduce_max3A_135 = vector.multi_reduction <maximumf>, %select_n3A_133, %reduce_max3A_134 [1] : vector<512x512xf32> to vector<512xf32>
    %broadcast_in_dim3A_136 = vector.shape_cast %reduce_max3A_135 : vector<512xf32> to vector<512x1xf32>
    %lt3A_137 = vector.broadcast %broadcast_in_dim3A_136 : vector<512x1xf32> to vector<512x512xf32>
    %lt3A_138 = arith.cmpf olt, %dot_general3A_117, %lt3A_137 : vector<512x512xf32>
    %jit3A_139 = arith.constant 0xFF800000 : f32
    %broadcast_in_dim3A_140 = vector.broadcast %jit3A_139 : f32 to vector<512x512xf32>
    %select_n3A_141 = arith.select %lt3A_138, %dot_general3A_117, %broadcast_in_dim3A_140 : vector<512x512xi1>, vector<512x512xf32>
    %reduce_max3A_142 = arith.constant dense<0xFF800000> : vector<512xf32>
    %reduce_max3A_143 = vector.multi_reduction <maximumf>, %select_n3A_141, %reduce_max3A_142 [1] : vector<512x512xf32> to vector<512xf32>
    %broadcast_in_dim3A_144 = vector.shape_cast %reduce_max3A_143 : vector<512xf32> to vector<512x1xf32>
    %lt3A_145 = vector.broadcast %broadcast_in_dim3A_144 : vector<512x1xf32> to vector<512x512xf32>
    %lt3A_146 = arith.cmpf olt, %dot_general3A_117, %lt3A_145 : vector<512x512xf32>
    %jit3A_147 = arith.constant 0xFF800000 : f32
    %broadcast_in_dim3A_148 = vector.broadcast %jit3A_147 : f32 to vector<512x512xf32>
    %select_n3A_149 = arith.select %lt3A_146, %dot_general3A_117, %broadcast_in_dim3A_148 : vector<512x512xi1>, vector<512x512xf32>
    %reduce_max3A_150 = arith.constant dense<0xFF800000> : vector<512xf32>
    %reduce_max3A_151 = vector.multi_reduction <maximumf>, %select_n3A_149, %reduce_max3A_150 [1] : vector<512x512xf32> to vector<512xf32>
    %broadcast_in_dim3A_152 = vector.shape_cast %reduce_max3A_151 : vector<512xf32> to vector<512x1xf32>
    %lt3A_153 = vector.broadcast %broadcast_in_dim3A_152 : vector<512x1xf32> to vector<512x512xf32>
    %lt3A_154 = arith.cmpf olt, %dot_general3A_117, %lt3A_153 : vector<512x512xf32>
    %jit3A_155 = arith.constant 0xFF800000 : f32
    %broadcast_in_dim3A_156 = vector.broadcast %jit3A_155 : f32 to vector<512x512xf32>
    %select_n3A_157 = arith.select %lt3A_154, %dot_general3A_117, %broadcast_in_dim3A_156 : vector<512x512xi1>, vector<512x512xf32>
    %reduce_max3A_158 = arith.constant dense<0xFF800000> : vector<512xf32>
    %reduce_max3A_159 = vector.multi_reduction <maximumf>, %select_n3A_157, %reduce_max3A_158 [1] : vector<512x512xf32> to vector<512xf32>
    %broadcast_in_dim3A_160 = vector.shape_cast %reduce_max3A_159 : vector<512xf32> to vector<512x1xf32>
    %lt3A_161 = vector.broadcast %broadcast_in_dim3A_160 : vector<512x1xf32> to vector<512x512xf32>
    %lt3A_162 = arith.cmpf olt, %dot_general3A_117, %lt3A_161 : vector<512x512xf32>
    %jit3A_163 = arith.constant 0xFF800000 : f32
    %broadcast_in_dim3A_164 = vector.broadcast %jit3A_163 : f32 to vector<512x512xf32>
    %select_n3A_165 = arith.select %lt3A_162, %dot_general3A_117, %broadcast_in_dim3A_164 : vector<512x512xi1>, vector<512x512xf32>
    %reduce_max3A_166 = arith.constant dense<0xFF800000> : vector<512xf32>
    %reduce_max3A_167 = vector.multi_reduction <maximumf>, %select_n3A_165, %reduce_max3A_166 [1] : vector<512x512xf32> to vector<512xf32>
    %broadcast_in_dim3A_168 = vector.shape_cast %reduce_max3A_167 : vector<512xf32> to vector<512x1xf32>
    %lt3A_169 = vector.broadcast %broadcast_in_dim3A_168 : vector<512x1xf32> to vector<512x512xf32>
    %lt3A_170 = arith.cmpf olt, %dot_general3A_117, %lt3A_169 : vector<512x512xf32>
    %jit3A_171 = arith.constant 0xFF800000 : f32
    %broadcast_in_dim3A_172 = vector.broadcast %jit3A_171 : f32 to vector<512x512xf32>
    %select_n3A_173 = arith.select %lt3A_170, %dot_general3A_117, %broadcast_in_dim3A_172 : vector<512x512xi1>, vector<512x512xf32>
    %reduce_max3A_174 = arith.constant dense<0xFF800000> : vector<512xf32>
    %reduce_max3A_175 = vector.multi_reduction <maximumf>, %select_n3A_173, %reduce_max3A_174 [1] : vector<512x512xf32> to vector<512xf32>
    %broadcast_in_dim3A_176 = vector.shape_cast %reduce_max3A_175 : vector<512xf32> to vector<512x1xf32>
    %mul3A_177 = arith.constant 1.000000e+01 : f32
    %mul3A_178 = vector.broadcast %mul3A_177 : f32 to vector<512x1xf32>
    %mul3A_179 = arith.mulf %broadcast_in_dim3A_120, %mul3A_178 : vector<512x1xf32>
    %ge3A_180 = vector.broadcast %broadcast_in_dim3A_176 : vector<512x1xf32> to vector<512x512xf32>
    %ge3A_181 = arith.cmpf oge, %dot_general3A_117, %ge3A_180 : vector<512x512xf32>
    %mul3A_182 = arith.constant 1.000000e+01 : f32
    %mul3A_183 = vector.broadcast %mul3A_182 : f32 to vector<512x512xf32>
    %mul3A_184 = arith.mulf %dot_general3A_117, %mul3A_183 : vector<512x512xf32>
    %sub3A_185 = vector.broadcast %mul3A_179 : vector<512x1xf32> to vector<512x512xf32>
    %sub3A_186 = arith.subf %mul3A_184, %sub3A_185 : vector<512x512xf32>
    %exp3A_187 = math.exp %sub3A_186 : vector<512x512xf32>
    %jit3A_188 = arith.constant 0.000000e+00 : f32
    %broadcast_in_dim3A_189 = vector.broadcast %jit3A_188 : f32 to vector<512x512xf32>
    %select_n3A_190 = arith.select %ge3A_181, %exp3A_187, %broadcast_in_dim3A_189 : vector<512x512xi1>, vector<512x512xf32>
    %dot_general3A_191 = arith.constant dense<0.000000e+00> : vector<512x65xf32>
    %dot_general3A_192 = tpu.matmul %select_n3A_190, %get3A_4, %dot_general3A_191 {dimension_numbers = #tpu.dot_dimension_numbers<[1], [0], [0], [1], [0, 0, 1, 1], [], []>, transpose_lhs_hint = false} : vector<512x512xf32>, vector<512x65xf32>, vector<512x65xf32> -> vector<512x65xf32>
    %slice3A_193 = vector.extract_strided_slice %dot_general3A_192 {offsets = [0, 0], sizes = [512, 64], strides = [1, 1]} : vector<512x65xf32> to vector<512x64xf32>
    %slice3A_194 = vector.extract_strided_slice %dot_general3A_192 {offsets = [0, 64], sizes = [512, 1], strides = [1, 1]} : vector<512x65xf32> to vector<512x1xf32>
    %div3A_195 = arith.constant 1.000000e+00 : f32
    %div3A_196 = vector.broadcast %div3A_195 : f32 to vector<512x1xf32>
    %div3A_197 = arith.divf %div3A_196, %slice3A_194 : vector<512x1xf32>
    %mul3A_198 = vector.broadcast %div3A_197 : vector<512x1xf32> to vector<512x64xf32>
    %mul3A_199 = arith.mulf %slice3A_193, %mul3A_198 : vector<512x64xf32>
    %swap3A_200 = arith.constant 512 : index
    %swap3A_201 = arith.constant 0 : index
    %swap3A_202 = vector.load %arg4[%swap3A_200, %swap3A_201] : memref<2048x64xf32, #tpu.memory_space<vmem>>, vector<512x64xf32>
    tpu.vector_store %arg4[%swap3A_200, %swap3A_201], %mul3A_199 {strides = array<i32>} : memref<2048x64xf32, #tpu.memory_space<vmem>>, vector<512x64xf32>,
    %swap3A_203 = arith.constant 512 : index
    %swap3A_204 = arith.constant 0 : index
    %swap3A_205 = vector.load %arg5[%swap3A_203, %swap3A_204] : memref<2048x1xf32, #tpu.memory_space<vmem>>, vector<512x1xf32>
    tpu.vector_store %arg5[%swap3A_203, %swap3A_204], %mul3A_179 {strides = array<i32>} : memref<2048x1xf32, #tpu.memory_space<vmem>>, vector<512x1xf32>,
    %get3A_206 = arith.constant 1024 : index
    %get3A_207 = arith.constant 0 : index
    %get3A_208 = vector.load %arg1[%get3A_206, %get3A_207] : memref<2048x64xf32, #tpu.memory_space<vmem>>, vector<512x64xf32>
    %mul3A_209 = arith.mulf %get3A_208, %get3A_208 : vector<512x64xf32>
    %reduce_sum3A_210 = arith.constant dense<0.000000e+00> : vector<512xf32>
    %reduce_sum3A_211 = vector.multi_reduction <add>, %mul3A_209, %reduce_sum3A_210 [1] : vector<512x64xf32> to vector<512xf32>
    %broadcast_in_dim3A_212 = vector.shape_cast %reduce_sum3A_211 : vector<512xf32> to vector<512x1xf32>
    %max3A_213 = arith.constant 1.000000e-24 : f32
    %max3A_214 = vector.broadcast %max3A_213 : f32 to vector<512x1xf32>
    %max3A_215 = arith.maximumf %broadcast_in_dim3A_212, %max3A_214 : vector<512x1xf32>
    %rsqrt3A_216 = math.rsqrt %max3A_215 : vector<512x1xf32>
    %mul3A_217 = vector.broadcast %rsqrt3A_216 : vector<512x1xf32> to vector<512x64xf32>
    %mul3A_218 = arith.mulf %get3A_208, %mul3A_217 : vector<512x64xf32>
    %transpose3A_219 = tpu.transpose %mul3A_9, [1, 0] : vector<512x64xf32> -> vector<64x512xf32>
    %dot_general3A_220 = arith.constant dense<0.000000e+00> : vector<512x512xf32>
    %dot_general3A_221 = tpu.matmul %mul3A_218, %transpose3A_219, %dot_general3A_220 {dimension_numbers = #tpu.dot_dimension_numbers<[1], [0], [0], [1], [0, 0, 1, 1], [], []>, transpose_lhs_hint = false} : vector<512x64xf32>, vector<64x512xf32>, vector<512x512xf32> -> vector<512x512xf32>
    %reduce_max3A_222 = arith.constant dense<0xFF800000> : vector<512xf32>
    %reduce_max3A_223 = vector.multi_reduction <maximumf>, %dot_general3A_221, %reduce_max3A_222 [1] : vector<512x512xf32> to vector<512xf32>
    %broadcast_in_dim3A_224 = vector.shape_cast %reduce_max3A_223 : vector<512xf32> to vector<512x1xf32>
    %lt3A_225 = vector.broadcast %broadcast_in_dim3A_224 : vector<512x1xf32> to vector<512x512xf32>
    %lt3A_226 = arith.cmpf olt, %dot_general3A_221, %lt3A_225 : vector<512x512xf32>
    %jit3A_227 = arith.constant 0xFF800000 : f32
    %broadcast_in_dim3A_228 = vector.broadcast %jit3A_227 : f32 to vector<512x512xf32>
    %select_n3A_229 = arith.select %lt3A_226, %dot_general3A_221, %broadcast_in_dim3A_228 : vector<512x512xi1>, vector<512x512xf32>
    %reduce_max3A_230 = arith.constant dense<0xFF800000> : vector<512xf32>
    %reduce_max3A_231 = vector.multi_reduction <maximumf>, %select_n3A_229, %reduce_max3A_230 [1] : vector<512x512xf32> to vector<512xf32>
    %broadcast_in_dim3A_232 = vector.shape_cast %reduce_max3A_231 : vector<512xf32> to vector<512x1xf32>
    %lt3A_233 = vector.broadcast %broadcast_in_dim3A_232 : vector<512x1xf32> to vector<512x512xf32>
    %lt3A_234 = arith.cmpf olt, %dot_general3A_221, %lt3A_233 : vector<512x512xf32>
    %jit3A_235 = arith.constant 0xFF800000 : f32
    %broadcast_in_dim3A_236 = vector.broadcast %jit3A_235 : f32 to vector<512x512xf32>
    %select_n3A_237 = arith.select %lt3A_234, %dot_general3A_221, %broadcast_in_dim3A_236 : vector<512x512xi1>, vector<512x512xf32>
    %reduce_max3A_238 = arith.constant dense<0xFF800000> : vector<512xf32>
    %reduce_max3A_239 = vector.multi_reduction <maximumf>, %select_n3A_237, %reduce_max3A_238 [1] : vector<512x512xf32> to vector<512xf32>
    %broadcast_in_dim3A_240 = vector.shape_cast %reduce_max3A_239 : vector<512xf32> to vector<512x1xf32>
    %lt3A_241 = vector.broadcast %broadcast_in_dim3A_240 : vector<512x1xf32> to vector<512x512xf32>
    %lt3A_242 = arith.cmpf olt, %dot_general3A_221, %lt3A_241 : vector<512x512xf32>
    %jit3A_243 = arith.constant 0xFF800000 : f32
    %broadcast_in_dim3A_244 = vector.broadcast %jit3A_243 : f32 to vector<512x512xf32>
    %select_n3A_245 = arith.select %lt3A_242, %dot_general3A_221, %broadcast_in_dim3A_244 : vector<512x512xi1>, vector<512x512xf32>
    %reduce_max3A_246 = arith.constant dense<0xFF800000> : vector<512xf32>
    %reduce_max3A_247 = vector.multi_reduction <maximumf>, %select_n3A_245, %reduce_max3A_246 [1] : vector<512x512xf32> to vector<512xf32>
    %broadcast_in_dim3A_248 = vector.shape_cast %reduce_max3A_247 : vector<512xf32> to vector<512x1xf32>
    %lt3A_249 = vector.broadcast %broadcast_in_dim3A_248 : vector<512x1xf32> to vector<512x512xf32>
    %lt3A_250 = arith.cmpf olt, %dot_general3A_221, %lt3A_249 : vector<512x512xf32>
    %jit3A_251 = arith.constant 0xFF800000 : f32
    %broadcast_in_dim3A_252 = vector.broadcast %jit3A_251 : f32 to vector<512x512xf32>
    %select_n3A_253 = arith.select %lt3A_250, %dot_general3A_221, %broadcast_in_dim3A_252 : vector<512x512xi1>, vector<512x512xf32>
    %reduce_max3A_254 = arith.constant dense<0xFF800000> : vector<512xf32>
    %reduce_max3A_255 = vector.multi_reduction <maximumf>, %select_n3A_253, %reduce_max3A_254 [1] : vector<512x512xf32> to vector<512xf32>
    %broadcast_in_dim3A_256 = vector.shape_cast %reduce_max3A_255 : vector<512xf32> to vector<512x1xf32>
    %lt3A_257 = vector.broadcast %broadcast_in_dim3A_256 : vector<512x1xf32> to vector<512x512xf32>
    %lt3A_258 = arith.cmpf olt, %dot_general3A_221, %lt3A_257 : vector<512x512xf32>
    %jit3A_259 = arith.constant 0xFF800000 : f32
    %broadcast_in_dim3A_260 = vector.broadcast %jit3A_259 : f32 to vector<512x512xf32>
    %select_n3A_261 = arith.select %lt3A_258, %dot_general3A_221, %broadcast_in_dim3A_260 : vector<512x512xi1>, vector<512x512xf32>
    %reduce_max3A_262 = arith.constant dense<0xFF800000> : vector<512xf32>
    %reduce_max3A_263 = vector.multi_reduction <maximumf>, %select_n3A_261, %reduce_max3A_262 [1] : vector<512x512xf32> to vector<512xf32>
    %broadcast_in_dim3A_264 = vector.shape_cast %reduce_max3A_263 : vector<512xf32> to vector<512x1xf32>
    %lt3A_265 = vector.broadcast %broadcast_in_dim3A_264 : vector<512x1xf32> to vector<512x512xf32>
    %lt3A_266 = arith.cmpf olt, %dot_general3A_221, %lt3A_265 : vector<512x512xf32>
    %jit3A_267 = arith.constant 0xFF800000 : f32
    %broadcast_in_dim3A_268 = vector.broadcast %jit3A_267 : f32 to vector<512x512xf32>
    %select_n3A_269 = arith.select %lt3A_266, %dot_general3A_221, %broadcast_in_dim3A_268 : vector<512x512xi1>, vector<512x512xf32>
    %reduce_max3A_270 = arith.constant dense<0xFF800000> : vector<512xf32>
    %reduce_max3A_271 = vector.multi_reduction <maximumf>, %select_n3A_269, %reduce_max3A_270 [1] : vector<512x512xf32> to vector<512xf32>
    %broadcast_in_dim3A_272 = vector.shape_cast %reduce_max3A_271 : vector<512xf32> to vector<512x1xf32>
    %lt3A_273 = vector.broadcast %broadcast_in_dim3A_272 : vector<512x1xf32> to vector<512x512xf32>
    %lt3A_274 = arith.cmpf olt, %dot_general3A_221, %lt3A_273 : vector<512x512xf32>
    %jit3A_275 = arith.constant 0xFF800000 : f32
    %broadcast_in_dim3A_276 = vector.broadcast %jit3A_275 : f32 to vector<512x512xf32>
    %select_n3A_277 = arith.select %lt3A_274, %dot_general3A_221, %broadcast_in_dim3A_276 : vector<512x512xi1>, vector<512x512xf32>
    %reduce_max3A_278 = arith.constant dense<0xFF800000> : vector<512xf32>
    %reduce_max3A_279 = vector.multi_reduction <maximumf>, %select_n3A_277, %reduce_max3A_278 [1] : vector<512x512xf32> to vector<512xf32>
    %broadcast_in_dim3A_280 = vector.shape_cast %reduce_max3A_279 : vector<512xf32> to vector<512x1xf32>
    %mul3A_281 = arith.constant 1.000000e+01 : f32
    %mul3A_282 = vector.broadcast %mul3A_281 : f32 to vector<512x1xf32>
    %mul3A_283 = arith.mulf %broadcast_in_dim3A_224, %mul3A_282 : vector<512x1xf32>
    %ge3A_284 = vector.broadcast %broadcast_in_dim3A_280 : vector<512x1xf32> to vector<512x512xf32>
    %ge3A_285 = arith.cmpf oge, %dot_general3A_221, %ge3A_284 : vector<512x512xf32>
    %mul3A_286 = arith.constant 1.000000e+01 : f32
    %mul3A_287 = vector.broadcast %mul3A_286 : f32 to vector<512x512xf32>
    %mul3A_288 = arith.mulf %dot_general3A_221, %mul3A_287 : vector<512x512xf32>
    %sub3A_289 = vector.broadcast %mul3A_283 : vector<512x1xf32> to vector<512x512xf32>
    %sub3A_290 = arith.subf %mul3A_288, %sub3A_289 : vector<512x512xf32>
    %exp3A_291 = math.exp %sub3A_290 : vector<512x512xf32>
    %jit3A_292 = arith.constant 0.000000e+00 : f32
    %broadcast_in_dim3A_293 = vector.broadcast %jit3A_292 : f32 to vector<512x512xf32>
    %select_n3A_294 = arith.select %ge3A_285, %exp3A_291, %broadcast_in_dim3A_293 : vector<512x512xi1>, vector<512x512xf32>
    %dot_general3A_295 = arith.constant dense<0.000000e+00> : vector<512x65xf32>
    %dot_general3A_296 = tpu.matmul %select_n3A_294, %get3A_4, %dot_general3A_295 {dimension_numbers = #tpu.dot_dimension_numbers<[1], [0], [0], [1], [0, 0, 1, 1], [], []>, transpose_lhs_hint = false} : vector<512x512xf32>, vector<512x65xf32>, vector<512x65xf32> -> vector<512x65xf32>
    %slice3A_297 = vector.extract_strided_slice %dot_general3A_296 {offsets = [0, 0], sizes = [512, 64], strides = [1, 1]} : vector<512x65xf32> to vector<512x64xf32>
    %slice3A_298 = vector.extract_strided_slice %dot_general3A_296 {offsets = [0, 64], sizes = [512, 1], strides = [1, 1]} : vector<512x65xf32> to vector<512x1xf32>
    %div3A_299 = arith.constant 1.000000e+00 : f32
    %div3A_300 = vector.broadcast %div3A_299 : f32 to vector<512x1xf32>
    %div3A_301 = arith.divf %div3A_300, %slice3A_298 : vector<512x1xf32>
    %mul3A_302 = vector.broadcast %div3A_301 : vector<512x1xf32> to vector<512x64xf32>
    %mul3A_303 = arith.mulf %slice3A_297, %mul3A_302 : vector<512x64xf32>
    %swap3A_304 = arith.constant 1024 : index
    %swap3A_305 = arith.constant 0 : index
    %swap3A_306 = vector.load %arg4[%swap3A_304, %swap3A_305] : memref<2048x64xf32, #tpu.memory_space<vmem>>, vector<512x64xf32>
    tpu.vector_store %arg4[%swap3A_304, %swap3A_305], %mul3A_303 {strides = array<i32>} : memref<2048x64xf32, #tpu.memory_space<vmem>>, vector<512x64xf32>,
    %swap3A_307 = arith.constant 1024 : index
    %swap3A_308 = arith.constant 0 : index
    %swap3A_309 = vector.load %arg5[%swap3A_307, %swap3A_308] : memref<2048x1xf32, #tpu.memory_space<vmem>>, vector<512x1xf32>
    tpu.vector_store %arg5[%swap3A_307, %swap3A_308], %mul3A_283 {strides = array<i32>} : memref<2048x1xf32, #tpu.memory_space<vmem>>, vector<512x1xf32>,
    %get3A_310 = arith.constant 1536 : index
    %get3A_311 = arith.constant 0 : index
    %get3A_312 = vector.load %arg1[%get3A_310, %get3A_311] : memref<2048x64xf32, #tpu.memory_space<vmem>>, vector<512x64xf32>
    %mul3A_313 = arith.mulf %get3A_312, %get3A_312 : vector<512x64xf32>
    %reduce_sum3A_314 = arith.constant dense<0.000000e+00> : vector<512xf32>
    %reduce_sum3A_315 = vector.multi_reduction <add>, %mul3A_313, %reduce_sum3A_314 [1] : vector<512x64xf32> to vector<512xf32>
    %broadcast_in_dim3A_316 = vector.shape_cast %reduce_sum3A_315 : vector<512xf32> to vector<512x1xf32>
    %max3A_317 = arith.constant 1.000000e-24 : f32
    %max3A_318 = vector.broadcast %max3A_317 : f32 to vector<512x1xf32>
    %max3A_319 = arith.maximumf %broadcast_in_dim3A_316, %max3A_318 : vector<512x1xf32>
    %rsqrt3A_320 = math.rsqrt %max3A_319 : vector<512x1xf32>
    %mul3A_321 = vector.broadcast %rsqrt3A_320 : vector<512x1xf32> to vector<512x64xf32>
    %mul3A_322 = arith.mulf %get3A_312, %mul3A_321 : vector<512x64xf32>
    %transpose3A_323 = tpu.transpose %mul3A_9, [1, 0] : vector<512x64xf32> -> vector<64x512xf32>
    %dot_general3A_324 = arith.constant dense<0.000000e+00> : vector<512x512xf32>
    %dot_general3A_325 = tpu.matmul %mul3A_322, %transpose3A_323, %dot_general3A_324 {dimension_numbers = #tpu.dot_dimension_numbers<[1], [0], [0], [1], [0, 0, 1, 1], [], []>, transpose_lhs_hint = false} : vector<512x64xf32>, vector<64x512xf32>, vector<512x512xf32> -> vector<512x512xf32>
    %reduce_max3A_326 = arith.constant dense<0xFF800000> : vector<512xf32>
    %reduce_max3A_327 = vector.multi_reduction <maximumf>, %dot_general3A_325, %reduce_max3A_326 [1] : vector<512x512xf32> to vector<512xf32>
    %broadcast_in_dim3A_328 = vector.shape_cast %reduce_max3A_327 : vector<512xf32> to vector<512x1xf32>
    %lt3A_329 = vector.broadcast %broadcast_in_dim3A_328 : vector<512x1xf32> to vector<512x512xf32>
    %lt3A_330 = arith.cmpf olt, %dot_general3A_325, %lt3A_329 : vector<512x512xf32>
    %jit3A_331 = arith.constant 0xFF800000 : f32
    %broadcast_in_dim3A_332 = vector.broadcast %jit3A_331 : f32 to vector<512x512xf32>
    %select_n3A_333 = arith.select %lt3A_330, %dot_general3A_325, %broadcast_in_dim3A_332 : vector<512x512xi1>, vector<512x512xf32>
    %reduce_max3A_334 = arith.constant dense<0xFF800000> : vector<512xf32>
    %reduce_max3A_335 = vector.multi_reduction <maximumf>, %select_n3A_333, %reduce_max3A_334 [1] : vector<512x512xf32> to vector<512xf32>
    %broadcast_in_dim3A_336 = vector.shape_cast %reduce_max3A_335 : vector<512xf32> to vector<512x1xf32>
    %lt3A_337 = vector.broadcast %broadcast_in_dim3A_336 : vector<512x1xf32> to vector<512x512xf32>
    %lt3A_338 = arith.cmpf olt, %dot_general3A_325, %lt3A_337 : vector<512x512xf32>
    %jit3A_339 = arith.constant 0xFF800000 : f32
    %broadcast_in_dim3A_340 = vector.broadcast %jit3A_339 : f32 to vector<512x512xf32>
    %select_n3A_341 = arith.select %lt3A_338, %dot_general3A_325, %broadcast_in_dim3A_340 : vector<512x512xi1>, vector<512x512xf32>
    %reduce_max3A_342 = arith.constant dense<0xFF800000> : vector<512xf32>
    %reduce_max3A_343 = vector.multi_reduction <maximumf>, %select_n3A_341, %reduce_max3A_342 [1] : vector<512x512xf32> to vector<512xf32>
    %broadcast_in_dim3A_344 = vector.shape_cast %reduce_max3A_343 : vector<512xf32> to vector<512x1xf32>
    %lt3A_345 = vector.broadcast %broadcast_in_dim3A_344 : vector<512x1xf32> to vector<512x512xf32>
    %lt3A_346 = arith.cmpf olt, %dot_general3A_325, %lt3A_345 : vector<512x512xf32>
    %jit3A_347 = arith.constant 0xFF800000 : f32
    %broadcast_in_dim3A_348 = vector.broadcast %jit3A_347 : f32 to vector<512x512xf32>
    %select_n3A_349 = arith.select %lt3A_346, %dot_general3A_325, %broadcast_in_dim3A_348 : vector<512x512xi1>, vector<512x512xf32>
    %reduce_max3A_350 = arith.constant dense<0xFF800000> : vector<512xf32>
    %reduce_max3A_351 = vector.multi_reduction <maximumf>, %select_n3A_349, %reduce_max3A_350 [1] : vector<512x512xf32> to vector<512xf32>
    %broadcast_in_dim3A_352 = vector.shape_cast %reduce_max3A_351 : vector<512xf32> to vector<512x1xf32>
    %lt3A_353 = vector.broadcast %broadcast_in_dim3A_352 : vector<512x1xf32> to vector<512x512xf32>
    %lt3A_354 = arith.cmpf olt, %dot_general3A_325, %lt3A_353 : vector<512x512xf32>
    %jit3A_355 = arith.constant 0xFF800000 : f32
    %broadcast_in_dim3A_356 = vector.broadcast %jit3A_355 : f32 to vector<512x512xf32>
    %select_n3A_357 = arith.select %lt3A_354, %dot_general3A_325, %broadcast_in_dim3A_356 : vector<512x512xi1>, vector<512x512xf32>
    %reduce_max3A_358 = arith.constant dense<0xFF800000> : vector<512xf32>
    %reduce_max3A_359 = vector.multi_reduction <maximumf>, %select_n3A_357, %reduce_max3A_358 [1] : vector<512x512xf32> to vector<512xf32>
    %broadcast_in_dim3A_360 = vector.shape_cast %reduce_max3A_359 : vector<512xf32> to vector<512x1xf32>
    %lt3A_361 = vector.broadcast %broadcast_in_dim3A_360 : vector<512x1xf32> to vector<512x512xf32>
    %lt3A_362 = arith.cmpf olt, %dot_general3A_325, %lt3A_361 : vector<512x512xf32>
    %jit3A_363 = arith.constant 0xFF800000 : f32
    %broadcast_in_dim3A_364 = vector.broadcast %jit3A_363 : f32 to vector<512x512xf32>
    %select_n3A_365 = arith.select %lt3A_362, %dot_general3A_325, %broadcast_in_dim3A_364 : vector<512x512xi1>, vector<512x512xf32>
    %reduce_max3A_366 = arith.constant dense<0xFF800000> : vector<512xf32>
    %reduce_max3A_367 = vector.multi_reduction <maximumf>, %select_n3A_365, %reduce_max3A_366 [1] : vector<512x512xf32> to vector<512xf32>
    %broadcast_in_dim3A_368 = vector.shape_cast %reduce_max3A_367 : vector<512xf32> to vector<512x1xf32>
    %lt3A_369 = vector.broadcast %broadcast_in_dim3A_368 : vector<512x1xf32> to vector<512x512xf32>
    %lt3A_370 = arith.cmpf olt, %dot_general3A_325, %lt3A_369 : vector<512x512xf32>
    %jit3A_371 = arith.constant 0xFF800000 : f32
    %broadcast_in_dim3A_372 = vector.broadcast %jit3A_371 : f32 to vector<512x512xf32>
    %select_n3A_373 = arith.select %lt3A_370, %dot_general3A_325, %broadcast_in_dim3A_372 : vector<512x512xi1>, vector<512x512xf32>
    %reduce_max3A_374 = arith.constant dense<0xFF800000> : vector<512xf32>
    %reduce_max3A_375 = vector.multi_reduction <maximumf>, %select_n3A_373, %reduce_max3A_374 [1] : vector<512x512xf32> to vector<512xf32>
    %broadcast_in_dim3A_376 = vector.shape_cast %reduce_max3A_375 : vector<512xf32> to vector<512x1xf32>
    %lt3A_377 = vector.broadcast %broadcast_in_dim3A_376 : vector<512x1xf32> to vector<512x512xf32>
    %lt3A_378 = arith.cmpf olt, %dot_general3A_325, %lt3A_377 : vector<512x512xf32>
    %jit3A_379 = arith.constant 0xFF800000 : f32
    %broadcast_in_dim3A_380 = vector.broadcast %jit3A_379 : f32 to vector<512x512xf32>
    %select_n3A_381 = arith.select %lt3A_378, %dot_general3A_325, %broadcast_in_dim3A_380 : vector<512x512xi1>, vector<512x512xf32>
    %reduce_max3A_382 = arith.constant dense<0xFF800000> : vector<512xf32>
    %reduce_max3A_383 = vector.multi_reduction <maximumf>, %select_n3A_381, %reduce_max3A_382 [1] : vector<512x512xf32> to vector<512xf32>
    %broadcast_in_dim3A_384 = vector.shape_cast %reduce_max3A_383 : vector<512xf32> to vector<512x1xf32>
    %mul3A_385 = arith.constant 1.000000e+01 : f32
    %mul3A_386 = vector.broadcast %mul3A_385 : f32 to vector<512x1xf32>
    %mul3A_387 = arith.mulf %broadcast_in_dim3A_328, %mul3A_386 : vector<512x1xf32>
    %ge3A_388 = vector.broadcast %broadcast_in_dim3A_384 : vector<512x1xf32> to vector<512x512xf32>
    %ge3A_389 = arith.cmpf oge, %dot_general3A_325, %ge3A_388 : vector<512x512xf32>
    %mul3A_390 = arith.constant 1.000000e+01 : f32
    %mul3A_391 = vector.broadcast %mul3A_390 : f32 to vector<512x512xf32>
    %mul3A_392 = arith.mulf %dot_general3A_325, %mul3A_391 : vector<512x512xf32>
    %sub3A_393 = vector.broadcast %mul3A_387 : vector<512x1xf32> to vector<512x512xf32>
    %sub3A_394 = arith.subf %mul3A_392, %sub3A_393 : vector<512x512xf32>
    %exp3A_395 = math.exp %sub3A_394 : vector<512x512xf32>
    %jit3A_396 = arith.constant 0.000000e+00 : f32
    %broadcast_in_dim3A_397 = vector.broadcast %jit3A_396 : f32 to vector<512x512xf32>
    %select_n3A_398 = arith.select %ge3A_389, %exp3A_395, %broadcast_in_dim3A_397 : vector<512x512xi1>, vector<512x512xf32>
    %dot_general3A_399 = arith.constant dense<0.000000e+00> : vector<512x65xf32>
    %dot_general3A_400 = tpu.matmul %select_n3A_398, %get3A_4, %dot_general3A_399 {dimension_numbers = #tpu.dot_dimension_numbers<[1], [0], [0], [1], [0, 0, 1, 1], [], []>, transpose_lhs_hint = false} : vector<512x512xf32>, vector<512x65xf32>, vector<512x65xf32> -> vector<512x65xf32>
    %slice3A_401 = vector.extract_strided_slice %dot_general3A_400 {offsets = [0, 0], sizes = [512, 64], strides = [1, 1]} : vector<512x65xf32> to vector<512x64xf32>
    %slice3A_402 = vector.extract_strided_slice %dot_general3A_400 {offsets = [0, 64], sizes = [512, 1], strides = [1, 1]} : vector<512x65xf32> to vector<512x1xf32>
    %div3A_403 = arith.constant 1.000000e+00 : f32
    %div3A_404 = vector.broadcast %div3A_403 : f32 to vector<512x1xf32>
    %div3A_405 = arith.divf %div3A_404, %slice3A_402 : vector<512x1xf32>
    %mul3A_406 = vector.broadcast %div3A_405 : vector<512x1xf32> to vector<512x64xf32>
    %mul3A_407 = arith.mulf %slice3A_401, %mul3A_406 : vector<512x64xf32>
    %swap3A_408 = arith.constant 1536 : index
    %swap3A_409 = arith.constant 0 : index
    %swap3A_410 = vector.load %arg4[%swap3A_408, %swap3A_409] : memref<2048x64xf32, #tpu.memory_space<vmem>>, vector<512x64xf32>
    tpu.vector_store %arg4[%swap3A_408, %swap3A_409], %mul3A_407 {strides = array<i32>} : memref<2048x64xf32, #tpu.memory_space<vmem>>, vector<512x64xf32>,
    %swap3A_411 = arith.constant 1536 : index
    %swap3A_412 = arith.constant 0 : index
    %swap3A_413 = vector.load %arg5[%swap3A_411, %swap3A_412] : memref<2048x1xf32, #tpu.memory_space<vmem>>, vector<512x1xf32>
    tpu.vector_store %arg5[%swap3A_411, %swap3A_412], %mul3A_387 {strides = array<i32>} : memref<2048x1xf32, #tpu.memory_space<vmem>>, vector<512x1xf32>,
    return
  }
  func.func @transform_0(%arg0: i32) -> (i32, i32) {
    %c0_i32 = arith.constant 0 : i32
    %c0_i32_0 = arith.constant 0 : i32
    return %arg0, %c0_i32 : i32, i32
  }
  func.func @transform_1(%arg0: i32) -> (i32, i32) {
    %c0_i32 = arith.constant 0 : i32
    %c0_i32_0 = arith.constant 0 : i32
    %c0_i32_1 = arith.constant 0 : i32
    return %c0_i32, %c0_i32_0 : i32, i32
  }
  func.func @transform_2(%arg0: i32) -> (i32, i32) {
    %c0_i32 = arith.constant 0 : i32
    %c0_i32_0 = arith.constant 0 : i32
    %c0_i32_1 = arith.constant 0 : i32
    return %c0_i32, %c0_i32_0 : i32, i32
  }
  func.func @transform_3(%arg0: i32) -> (i32, i32) {
    %c0_i32 = arith.constant 0 : i32
    %c0_i32_0 = arith.constant 0 : i32
    return %arg0, %c0_i32 : i32, i32
  }
  func.func @transform_4(%arg0: i32) -> (i32, i32) {
    %c0_i32 = arith.constant 0 : i32
    %c0_i32_0 = arith.constant 0 : i32
    return %arg0, %c0_i32 : i32, i32
  }
}

</mosaic_0001>

<sc_bundles>
// kernel: sparse-core-data-format-call.cloned.1.call-start
scs
called_computation_lowered:
.L_overlay_start_0:
0x0: {  	s2 =	sld [smem:$0x3FD9]  }
0x1: {  	s3 =	sld [smem:$0x3FFE];
	_ =	sdelay $0x1  }
0x2: {  	s1 =	srdreg.scid  }
0x3: {  	s0 =	sand.u32 $0x1, s1  }
0x4: {  	s15 =	sshll.u32 s0, $0xA;
	s2 =	sadd.s32 s3, s2  }
0x5: {  	s2 =	sadd.s32 s2, s15  }
0x6: {  	[smem:$0x3FC6] =	sst s2  }
0x7: {  	_ = 	snop  }
0x8: {  	s2 =	sld [smem:$0x3FD0];
	_ =	sdelay $0x2  }
0x9: {  	s16 =	simm.s32 $0xA;
	s4 =	simm.s32 $0x10  }
0xa: {  	[smem:s4], [sflag:s16] =	dma.local [hbm:s2], $0x1  }
0xb: {  	_ =	swait.eq [sflag:s16], $0x1  }
0xc: {  	[sflag:s16] =	ssyncset.done $0x0  }
0xd: {  	[sflag:s16] =	ssyncadd.s32 $0xFFFFFFFF  }
0xe: {  	s17 =	sld [smem:$0x10];
	(tm) =	ssettm $0x1  }
0xf: {  	s18 =	sld [smem:$0x3FFB];
	_ =	sdelay $0x3  }
0x10: {  	_ =	strace s18  }
0x11: {  	s3 =	sld [smem:$0x3FFC];
	_ =	sdelay $0x3  }
0x12: {  	_ =	strace s3  }
0x13: {  	s3 =	sld [smem:$0x3FFD];
	_ =	sdelay $0x3  }
0x14: {  	_ =	strace s3  }
0x15: {  	_ =	strace $0x8FFFFFFF  }
0x16: {  	s19 =	sld [smem:$0x3FDB];
	_ =	sdelay $0x1  }
0x17: {  	s20 =	simm.s32 $_scs_section_size  }
0x18: {  	s5 =	simm.s32 $_size__tile_overlayer_lowered;
	s6 =	simm.s32 $_tile_overlayer_lowered  }
0x19: {  	s23 =	simm.s32 $0x1BFF;
	s22 =	sshll.u32 s6, $0x1;
	s3 =	sadd.s32 s20, s19  }
0x1a: {  	s7 =	simm.s32 $0x0;
	s21 =	sshll.u32 s5, $0x1;
	s5 =	sadd.s32 s22, s3  }
0x1b: {  	[timem:s7], [sflag:s23] =	dma.local [hbm:s5], s21  }
0x1c: {  	_ =	swait.ge [sflag:s23], s21  }
0x1d: {  	s4 =	ssub.s32 $0x0, s21;
	[sflag:s23] =	ssyncset.done $0x0  }
0x1e: {  	[sflag:s23] =	ssyncadd.s32 s4;
	_ =	sdelay $0x1  }
0x1f: {  	s24 =	simm.s32 $0x1B8B  }
0x20: {  	_ =	swait.ge [sflag:s24], $0x1  }
0x21: {  	[sflag:s24] =	ssyncset.done $0x0  }
0x22: {  	s26 =	simm.s32 $0x1B8E;
	s25 =	sld [smem:$0x3FFE];
	[sflag:s24] =	ssyncadd.s32 $0xFFFFFFFF  }
0x23: {  	s27 =	simm.s32 $execute0_lowered;
	[smem:$0x3FD2] =	sst s26  }
0x24: {  	s5 =	sshll.u32 s27, $0x1;
	_ =	strace $0x80000046;
	[dreg:$0x1] =	wrdreg $0xFFFFFFFF  }
0x25: {  	s28 =	simm.s32 $_size_execute0_lowered;
	s3 =	sadd.s32 s3, s5;
	[dreg:$0x0] =	wrdreg $0x0  }
0x26: {  	s5 =	sshll.u32 s28, $0x1;
	[dreg:$0x2] =	wrdreg s3  }
0x27: {  	[dreg:$0x3] =	wrdreg s5  }
0x28: {  	[dreg:$0x4] =	wrdreg $0xC0  }
0x29: {  	_ =	task [dreg:s7], $0x5FFFF  }
0x2a: {  	[dreg:$0x1] =	wrdreg $0xFFFFFFFF  }
0x2b: {  	[dreg:$0x0] =	wrdreg $0x60  }
0x2c: {  	[dreg:$0x2] =	wrdreg s25  }
0x2d: {  	[dreg:$0x3] =	wrdreg s17  }
0x2e: {  	[dreg:$0x4] =	wrdreg $0x9  }
0x2f: {  	_ =	task.clear_ibuf [dreg:s7], $0x5FFFF;
	_ =	strace $0x90000046  }
0x30: {  	s29 =	simm.s32 $0x9;
	_ =	strace $0x80000048  }
0x31: {  	_ =	swait.ge [sflag:s29], $0x1  }
0x32: {  	[sflag:s29] =	ssyncadd.s32 $0xFFFFFFFF  }
0x33: {  	_ =	strace $0x90000048  }
0x34: {  	_ =	sfence  }
0x35: {  	s30 =	sld [smem:$0x0];
	_ =	sdelay $0x2  }
0x36: {  	s31 =	sshll.u32 s1, $0xD;
	s1 =	sshrl.u32 s1, $0x2  }
0x37: {  	s3 =	sand.u32 $0x4000, s31;
	s1 =	sadd.s32 s1, s30  }
0x38: {  	s0 =	sor.u32 s3, s0;
	s1 =	sshll.u32 s1, $0x11  }
0x39: {  	s0 =	sor.u32 s1, s0  }
0x3a: {  	s0 =	sadd.s32 $0x8F2B, s0  }
0x3b: {  	[sflag:s0] =	ssyncadd.remote.s32 $0x1  }
0x3c: {  	_ =	sfence.sel $0xFFFF  }
0x3d: {  	[dreg:$0x0] =	wrdreg $0xFFFFFFFF;
	(pc) =	sbr.abs _section_cstart, $3  }
0x3e: {  	[dreg:$0x1] =	wrdreg $0xFFFFFFFF  }
0x3f: {  	_ =	task.clear_ibuf [dreg:s7], $0x2FFFF;
	_ =	strace $0x9FFFFFFF  }
0x40: {  	(tm) =	ssettm $0x7FFFFFFF  }
0x41: {  	_ =	shalt  }
tec
execute0_lowered:
.L_overlay_start_1:
0x0: {  	(tag) =	ssettag $0x1  }
0x1: {  	s8 =	rddreg [dreg:$0x0]  }
0x2: {  	s0 =	stileid.u32;
	s1 =	srdreg.scid  }
0x3: {  	s2 =	rddreg [dreg:$0x1];
	s31 =	simm.s32 $0x2;
	s14 =	simm.s32 $0x0  }
0x4: {  	s15 =	simm.s32 $0x0;
	s13 =	simm.s32 $0x0;
	s3 =	sshll.u32 s0, $0x1  }
0x5: {  	s4 =	sshll.u32 s0, $0x4;
	s1 =	sshll.u32 s1, $0x8;
	s3 =	sand.u32 $0xE, s3  }
0x6: {  	s4 =	sor.u32 s4, s1;
	s1 =	rddreg [dreg:$0x2];
	_ =	strace $0x80000047  }
0x7: {  	s4 =	sand.u32 $0x180, s4;
	s5 =	ssub.s32 $0x10, s3;
	s12 =	smov.u32 s3  }
0x8: {  	s6 =	sand.u32 $0xE, s5;
	s7 =	ssub.s32 $0x2000, s4;
	s10 =	sshrl.u32 s5, $0x4  }
0x9: {  	p0 =	sne.s32 s6, $0x0;
	s6 =	simm.s32 $0x1;
	s9 =	sand.u32 $0x180, s7  }
0xa: {  	s6 =	simm.s32 @!p0 $0x0;
	p0 =	sne.s32 s9, $0x0;
	s9 =	simm.s32 $0x1  }
.Ltmp0:
0xb: {  	s7 =	sshrl.u32 s7, $0x9;
	s9 =	simm.s32 @!p0 $0x0;
	(pc) =	sbr.rel .LBB1_1-.Ltmp0, $4  }
0xc: {  	s5 =	simm.s32 $0x1;
	s6 =	sadd.s32 s6, s10;
	s7 =	sadd.s32 s9, s7  }
0xd: {  	s11 =	smov.u32 s4;
	[sflag:s5] =	ssyncpa.u1 $0x0;
	s6 =	smul.u32 s6, s7  }
0xe: {  	[sflag:s31] =	ssyncpa.u1 $0x0;
	p0 =	por $0x0, $0x0;
	s10 =	simm.s32 $0x10000  }
0xf: {  	s7 =	sadd.s32 $0x400200, s8;
	s8 =	sadd.s32 $0x420200, s8;
	s9 =	sadd.s32 $0x1, s6  }
.LBB1_7:
0x10: {  	s16 =	sadd.s32 $0x200, s11  }
0x11: {  	s14 =	sadd.s32 $0x10, s12;
	s18 =	smov.u32 s12;
	p2 =	sgt.s32 s16, $0x1FFF  }
0x12: {  	s18 =	smov.u32 @p2 s14  }
0x13: {  	s16 =	smov.u32 @p2 s4;
	p2 =	sgt.s32 s18, $0xF  }
0x14: {  	s18 =	smov.u32 @p2 s3;
	p2 =	sne.s32 s13, s9  }
.Ltmp1:
0x15: {  	p1 =	slt.u32 s13, $0x2;
	(pc) =	sbr.rel @!p2 .LBB1_8-.Ltmp1, $4  }
0x16: {  	s17 =	simm.s32 @!p1 $0x2  }
0x17: {  	s15 =	smov.u32 s12;
	p0 =	por !p0, !p0;
	_ =	swait.ge @!p1 [sflag:s17], $0x4000  }
0x18: {  	s14 =	smov.u32 s11;
	[sflag:s17] =	ssyncset.done @!p1 $0x0;
	s11 =	smov.u32 s16  }
0x19: {  	s13 =	sadd.s32 $0x1, s13;
	[sflag:s17] =	ssyncadd.s32 @!p1 $0xFFFFC000;
	s12 =	smov.u32 s18  }
.LBB1_1:
0x1a: {  	p1 =	sge.u32 s13, s6  }
0x1b: {  	s16 =	sxor.u32 @!p1 $0xFFFFFFFF, s13;
	s17 =	sshll.u32 @!p1 s12, $0x11  }
0x1c: {  	s18 =	sshll.u32 @!p1 s11, $0x4;
	s20 =	simm.s32 @!p1 $0x40;
	s21 =	simm.s32 @!p1 $0x80  }
0x1d: {  	s16 =	sshll.u32 @!p1 s16, $0xE;
	s18 =	sand.u32 @!p1 $0x1FFF0, s18;
	s19 =	sadd.s32 @!p1 s7, s17  }
0x1e: {  	s17 =	sadd.s32 @!p1 s17, s8;
	s16 =	sand.u32 @!p1 $0x4000, s16;
	s19 =	sadd.s32 @!p1 s18, s19  }
0x1f: {  	[tilespmem:s16], [sflag:$0x1] =	stream.strided.gather @!p1 [hbm4b:s19+s20], $0x2000, s21, s20, $0x38;
	[tilespmem:$0x10100] =	vst v63  }
0x20: {  	s31 =	sadd.s32 $0xFFFFFFFF, s13;
	s17 =	sadd.s32 @!p1 s18, s17;
	s16 =	sor.u32 @!p1 $0x2000, s16  }
0x21: {  	[tilespmem:s16], [sflag:$0x1] =	stream.strided.gather @!p1 [hbm4b:s17+s20], $0x2000, s21, s20, $0x38;
	[tilespmem:$0x10100] =	vst v63  }
0x22: {  	p1 =	sge.u32 s31, s6  }
.Ltmp2:
0x23: {  	_ = 	snop;
	(pc) =	sbr.rel @p1 .LBB1_7-.Ltmp2, $1  }
0x24: {  	_ =	sdelay $0x3  }
0x25: {  	s16 =	simm.s32 $0x1;
	s18 =	sand.u32 $0x1, s13  }
0x26: {  	_ =	swait.ge [sflag:s5], $0x4000;
	s16 =	simm.s32 @!p0 $0x0;
	s18 =	smul.u32 $0x10200, s18  }
0x27: {  	p2 =	por $0x1, $0x1;
	[sflag:s5] =	ssyncset.done $0x0;
	s17 =	smul.u32 $0x10200, s16  }
0x28: {  	s19 =	sshll.u32 s16, $0x10;
	[sflag:s5] =	ssyncadd.s32 $0xFFFFC000;
	s30 =	sshrl.u32 s18, $0x2  }
0x29: {  	s31 =	sshrl.u32 s19, $0x2;
	s19 =	simm.s32 $0x0;
	s17 =	sshrl.u32 s17, $0x2  }
0x2a: {  	s16 =	sor.u32 $0x8000, s30;
	s18 =	sadd.s32 $0x20, s31;
	s17 =	sor.u32 $0x8000, s17  }
.LBB1_3:
0x2b: {  	s20 =	sshll.u32 s19, $0xD  }
0x2c: {  	s20 =	sand.u32 $0x3FFFE000, s20  }
0x2d: {  	s22 =	sadd.s32 s20, s18  }
0x2e: {  	s31 =	smul.u32 $0x8100, s19;
	v3 =	vld [tilespmem:s22+$0x10]  }
0x2f: {  	v1 =	vld [tilespmem:s22+$0xFFFFFFF0]  }
0x30: {  	s19 =	sshra.s32 s31, $0x2;
	v0 =	vld [tilespmem:s22+$0x0]  }
0x31: {  	s19 =	sadd.s32 s19, s17;
	v2 =	vld [tilespmem:s22+$0xFFFFFFE0]  }
0x32: {  	s20 =	sadd.s32 $0x0, s19  }
0x33: {  	p1 =	por p2, p2;
	s21 =	simm.s32 $0x4;
	s22 =	sadd.s32 $0x40, s22;
	[tilespmem:s20+$0x1830 ss:$0x81] =	vst.msk $0xffff, v3  }
.LBB1_4:
0x34: {  	v3 =	vld [tilespmem:s22+$0x10];
	p2 =	sne.s32 s21, $0x1FC;
	[tilespmem:s20+$0x810 ss:$0x81] =	vst.msk $0xffff, v1;
	s23 =	smov.u32 s21;
	s21 =	sadd.s32 $0x4, s21  }
.Ltmp3:
0x35: {  	v1 =	vld [tilespmem:s22+$0xFFFFFFF0];
	[tilespmem:s20+$0x1020 ss:$0x81] =	vst.msk $0xffff, v0;
	(pc) =	sbr.rel @p2 .LBB1_4-.Ltmp3, $4  }
0x36: {  	v0 =	vld [tilespmem:s22+$0x0];
	[tilespmem:s20+$0x0 ss:$0x81] =	vst.msk $0xffff, v2  }
0x37: {  	s20 =	sshra.s32 s23, $0x2;
	v2 =	vld [tilespmem:s22+$0xFFFFFFE0]  }
0x38: {  	s20 =	sadd.s32 s20, s19  }
0x39: {  	s22 =	sadd.s32 $0x40, s22;
	[tilespmem:s20+$0x1830 ss:$0x81] =	vst.msk $0xffff, v3  }
.Ltmp4:
0x3a: {  	(pc) =	sbr.rel @p1 .LBB1_3-.Ltmp4, $4  }
0x3b: {  	_ = 	snop  }
0x3c: {  	[tilespmem:s20+$0x810 ss:$0x81] =	vst.msk $0xffff, v1  }
0x3d: {  	[tilespmem:s20+$0x1020 ss:$0x81] =	vst.msk $0xffff, v0  }
0x3e: {  	s19 =	simm.s32 $0x1;
	p2 =	por $0x0, $0x0;
	[tilespmem:s20+$0x0 ss:$0x81] =	vst.msk $0xffff, v2  }
0x3f: {  	s17 =	sshll.u32 s14, $0x3;
	s18 =	sand.u32 $0x78, s14;
	s15 =	sshll.u32 s15, $0x10  }
.Ltmp5:
0x40: {  	s30 =	sand.u32 $0xFC00, s14;
	s17 =	sand.u32 $0x1C00, s17;
	(pc) =	sbr.rel .LBB1_7-.Ltmp5, $4  }
0x41: {  	s31 =	sand.u32 $0x7, s14;
	s15 =	sadd.s32 s2, s15;
	s17 =	sor.u32 s18, s17  }
0x42: {  	s14 =	sshll.u32 s31, $0x12;
	s15 =	sadd.s32 s30, s15;
	s17 =	sshrl.u32 s17, $0x3  }
0x43: {  	s14 =	sor.u32 $0x400, s14;
	s15 =	sadd.s32 s17, s15  }
0x44: {  	[hbm4b:s15+s14] =	stream.strided.scatter [tilespmem:s16], [sflag:$0x2], $0x4000, s10, s14, $0x20;
	[tilespmem:$0x10100] =	vst v63  }
.LBB1_8:
0x45: {  	_ =	sfence.sel $0x180000  }
0x46: {  	s2 =	simm.s32 $0x1;
	[bflag:$0x0] =	sbarrier.arrive $0xFFFF  }
0x47: {  	s31 =	simm.s32 $0x2;
	[sflag:s2] =	ssyncpa.u1 $0x1  }
0x48: {  	[sflag:s31] =	ssyncpa.u1 $0x1  }
0x49: {  	p0 =	sne.s32 s0, $0x0;
	_ =	strace $0x90000047  }
0x4a: {  	s0 =	sadd.s32 @!p0 $0x100000, s1;
	[bflag:$0x2] =	sbarrier.arrive $0xFFFF  }
0x4b: {  	[sflag:s0] =	ssyncadd.tile.s32 @!p0 $0x1;
	_ =	shalt  }
.Lfunc_end1:
_tile_overlayer_lowered:
.L_overlay_start_2:
0x4c: {  	(tag) =	ssettag $0x2  }
0x4d: {  	s0 =	rddreg [dreg:$0x0];
	s2 =	stileid.u32  }
0x4e: {  	s1 =	rddreg [dreg:$0x1];
	p0 =	sne.s32 s2, $0x0  }
0x4f: {  	s3 =	rddreg [dreg:$0x2];
	[bflag:$0x3] =	sbarrier.arrive $0xFFFF;
	s2 =	simm.s32 @!p0 $0x1C01  }
0x50: {  	[timem:s3], [sflag:s2] =	dma.local @!p0 [hbm:s0], s1  }
0x51: {  	s0 =	simm.s32 @!p0 $0x1  }
0x52: {  	_ =	swait.ge @!p0 [sflag:s0], s1  }
0x53: {  	s1 =	ssub.s32 @!p0 $0x0, s1;
	[sflag:s0] =	ssyncset.done @!p0 $0x0  }
0x54: {  	[sflag:s0] =	ssyncadd.s32 @!p0 s1  }
0x55: {  	[bflag:$0x3] =	sbarrier.arrive $0xFFFF  }
0x56: {  	_ =	shalt  }

</sc_bundles>
